<compile_context>
chip_gen: v7x
topology: tpu7x:2x2x1
jax: 0.10.2.dev20260603
libtpu: 0.0.44.dev20260713+nightly
codegen_flags: <defaults>
</compile_context>

<pallas_src>
import jax
import jax.numpy as jnp
import numpy as np
from jax.experimental import pallas as pl
from jax.experimental.pallas import tpu as pltpu

NUM_EXPERTS = 16
HIDDEN = 768
CAP_FACTORS = [1.5, 1.5, 1.5, 1.5, 1.0, 1.0, 1.0, 1.0, 1.0, 1.0, 1.0, 1.0, 0.5, 0.5, 0.5, 0.5]
BASE_CAP = 128
MAX_CAP = int(max(CAP_FACTORS) * BASE_CAP)


def _router_topk_kernel(x_ref, w_ref, b_ref, caps_ref,
                        vals_ref, idx_ref, zsum_ref, work_ref):
    G = x_ref.shape[0]
    E, C = vals_ref.shape[0] // G, vals_ref.shape[1]
    R, T = work_ref.shape

    w = w_ref[...]
    zsum = jnp.zeros((1, 1), jnp.float32)
    for g in range(G):
        x = x_ref[g]
        logits = jax.lax.dot_general(
            x, w, (((1,), (1,)), ((), ())), preferred_element_type=jnp.float32)
        logits = logits + b_ref[...]
        m = jnp.max(logits, axis=1, keepdims=True)
        e = jnp.exp(logits - m)
        s = jnp.sum(e, axis=1, keepdims=True)
        work_ref[g * E:(g + 1) * E, :] = (e / s).T
        logz = m + jnp.log(s)
        zsum = zsum + jnp.sum(logz * logz).reshape(1, 1)
    zsum_ref[...] = zsum

    iota_t = jax.lax.broadcasted_iota(jnp.int32, (R, T), 1)
    iota_c = jax.lax.broadcasted_iota(jnp.int32, (R, C), 1)

    def body(c, _):
        cur = work_ref[...]
        mx = jnp.max(cur, axis=1, keepdims=True)
        idx = jnp.min(jnp.where(cur == mx, iota_t, T), axis=1, keepdims=True)
        sel = iota_c == c
        vals_ref[...] = jnp.where(sel, mx, vals_ref[...])
        idx_ref[...] = jnp.where(sel, idx, idx_ref[...])
        work_ref[...] = jnp.where(iota_t == idx, -jnp.inf, cur)
        return 0

    jax.lax.fori_loop(0, C, body, 0)

    caps = caps_ref[:, 0:1]
    live = iota_c < caps
    vals_ref[...] = jnp.where(live, vals_ref[...], 0.0)
    idx_ref[...] = jnp.where(live, idx_ref[...], -1)


def _materialize_kernel(idx_ref, vals_ref, disp_ref, comb_ref):
    tb = pl.program_id(1)
    Tb = disp_ref.shape[0]
    tid = tb * Tb + jax.lax.broadcasted_iota(jnp.int32, (Tb, 1), 0)
    idx = idx_ref[0]
    hit = idx == tid
    comb_ref[...] = jnp.where(hit, vals_ref[0], 0.0)
    disp_ref[...] = hit


def kernel(token_inputs, W, b, expert_capacity):
    x = token_inputs.astype(jnp.float32)
    G, T, H = x.shape
    E = NUM_EXPERTS
    C = MAX_CAP
    R = G * E

    factors = jnp.asarray(CAP_FACTORS, dtype=jnp.float32)
    caps = jnp.floor(factors * expert_capacity).astype(jnp.int32)
    caps_rows = jnp.broadcast_to(jnp.tile(caps, G)[:, None], (R, 128))

    vals, idx, zsum = pl.pallas_call(
        _router_topk_kernel,
        in_specs=[
            pl.BlockSpec((G, T, H), lambda: (0, 0, 0)),
            pl.BlockSpec((E, H), lambda: (0, 0)),
            pl.BlockSpec((1, E), lambda: (0, 0)),
            pl.BlockSpec((R, 128), lambda: (0, 0)),
        ],
        out_specs=[
            pl.BlockSpec((R, C), lambda: (0, 0)),
            pl.BlockSpec((R, C), lambda: (0, 0)),
            pl.BlockSpec((1, 1), lambda: (0, 0)),
        ],
        out_shape=[
            jax.ShapeDtypeStruct((R, C), jnp.float32),
            jax.ShapeDtypeStruct((R, C), jnp.int32),
            jax.ShapeDtypeStruct((1, 1), jnp.float32),
        ],
        scratch_shapes=[pltpu.VMEM((R, T), jnp.float32)],
    )(x, W, b.reshape(1, E), caps_rows)

    router_z_loss = (zsum[0, 0] / (G * T)).astype(jnp.float32)
    auxiliary_loss = jnp.zeros((), dtype=jnp.float32)

    Tb2 = 256
    nt2 = T // Tb2
    vals2 = vals.reshape(G, 1, E * C)
    idx2 = idx.reshape(G, 1, E * C)
    disp, comb = pl.pallas_call(
        _materialize_kernel,
        grid=(G, nt2),
        in_specs=[
            pl.BlockSpec((1, 1, E * C), lambda g, t: (g, 0, 0)),
            pl.BlockSpec((1, 1, E * C), lambda g, t: (g, 0, 0)),
        ],
        out_specs=[
            pl.BlockSpec((Tb2, E * C), lambda g, t: (g * nt2 + t, 0)),
            pl.BlockSpec((Tb2, E * C), lambda g, t: (g * nt2 + t, 0)),
        ],
        out_shape=[
            jax.ShapeDtypeStruct((G * T, E * C), jnp.bool_),
            jax.ShapeDtypeStruct((G * T, E * C), jnp.float32),
        ],
        compiler_params=pltpu.CompilerParams(
            dimension_semantics=("parallel", "parallel")),
    )(idx2, vals2)

    dispatch_mask = disp.reshape(G, T, E, C)
    combine_array = comb.reshape(G, T, E, C)
    return (dispatch_mask, combine_array, auxiliary_loss, router_z_loss)

# --- scband reference (transcript-rebuilt; emitter-appended) ---
"""Pipeline reference for scband-variable-capacity-masked-router-80006650790410 (READ-ONLY COPY).

The authoritative reference and input builder live on the scoring server;
editing this copy changes nothing except your own understanding.
"""

import jax, jax.numpy as jnp
import numpy as np

NUM_EXPERTS = 16
HIDDEN = 768
CAP_FACTORS = [1.5, 1.5, 1.5, 1.5, 1.0, 1.0, 1.0, 1.0, 1.0, 1.0, 1.0, 1.0, 0.5, 0.5, 0.5, 0.5]


def setup_inputs(seed: int = 0):
    key = jax.random.key(seed)
    k1, k2, k3 = jax.random.split(key, 3)
    token_inputs = jax.random.normal(k1, (2, 2048, HIDDEN), dtype=jnp.float32)
    W = jax.random.normal(k2, (NUM_EXPERTS, HIDDEN), dtype=jnp.float32) * (1.0 / np.sqrt(HIDDEN))
    b = jax.random.normal(k3, (NUM_EXPERTS,), dtype=jnp.float32) * 0.01
    return {"token_inputs": token_inputs, "W": W, "b": b, "expert_capacity": 128}


def reference(token_inputs, W, b, expert_capacity):
    # jitter_noise == 0.0 so jitter is a no-op; ignore_padding_tokens == False
    x = token_inputs.astype(jnp.float32)
    router_logits = jnp.einsum('gth,eh->gte', x, W) + b  # [G, T, E]
    router_probs = jax.nn.softmax(router_logits, axis=-1)

    # Variable per-expert capacities: capacity_e = floor(factor_e * base_expert_capacity)
    factors = jnp.asarray(CAP_FACTORS, dtype=jnp.float32)
    caps = jnp.floor(factors * expert_capacity).astype(jnp.int32)  # [E], traced
    BASE_CAP = 128  # known constant value always passed by setup_inputs
    max_cap = int(max(CAP_FACTORS) * BASE_CAP)
    T = router_probs.shape[1]

    # Experts choose tokens: each expert selects its top-capacity tokens
    expert_gate = jnp.swapaxes(router_probs, 1, 2)  # [G, E, T]
    top_vals, top_idx = jax.lax.top_k(expert_gate, max_cap)  # [G, E, C]

    # Mask out capacity slots beyond each expert's own capacity
    cap_mask = (jnp.arange(max_cap)[None, :] < caps[:, None]).astype(router_probs.dtype)  # [E, C]

    one_hot = jax.nn.one_hot(top_idx, T, dtype=router_probs.dtype)  # [G, E, C, T]
    one_hot = one_hot * cap_mask[None, :, :, None]

    dispatch = jnp.transpose(one_hot, (0, 3, 1, 2))  # [G, T, E, C]
    combine_array = dispatch * top_vals[:, None, :, :]  # scale by router prob
    dispatch_mask = dispatch.astype(bool)

    # Expert-choice routing balances load by construction -> aux loss 0
    auxiliary_loss = jnp.asarray(0.0, dtype=jnp.float32)

    # Router z-loss
    log_z = jax.nn.logsumexp(router_logits, axis=-1)
    router_z_loss = jnp.mean(log_z ** 2)

    return (dispatch_mask, combine_array, auxiliary_loss, router_z_loss)

if __name__ == "__main__":
    import jax
    _d = setup_inputs()
    print(jax.jit(kernel)(*tuple(_d.values())))

</pallas_src>

<mosaic_0001>
module attributes {stable_mosaic.version = 14 : i64} {
  func.func @_materialize_kernel(%arg0: i32, %arg1: i32, %arg2: memref<1x1x3072xi32, #tpu.memory_space<vmem>>, %arg3: memref<1x1x3072xf32, #tpu.memory_space<vmem>>, %arg4: memref<256x3072xi32, #tpu.memory_space<vmem>>, %arg5: memref<256x3072xf32, #tpu.memory_space<vmem>>) attributes {dimension_semantics = [#tpu.dimension_semantics<parallel>, #tpu.dimension_semantics<parallel>], iteration_bounds = array<i64: 2, 8>, scalar_prefetch = 0 : i64, scratch_operands = 0 : i64, tpu.core_type = #tpu.core_type<tc>, window_params = [{transform_indices = @transform_0, window_bounds = array<i64: 1, 1, 3072>}, {transform_indices = @transform_1, window_bounds = array<i64: 1, 1, 3072>}, {transform_indices = @transform_2, window_bounds = array<i64: 256, 3072>}, {transform_indices = @transform_3, window_bounds = array<i64: 256, 3072>}]} {
    %mul3A = arith.constant 256 : i32
    %mul3A_0 = arith.muli %arg1, %mul3A : i32
    %iota3A = tpu.iota {dimensions = array<i32: 0>} : vector<256x1xi32>
    %add3A = vector.broadcast %mul3A_0 : i32 to vector<256x1xi32>
    %add3A_1 = arith.addi %add3A, %iota3A : vector<256x1xi32>
    %get3A = arith.constant 0 : index
    %get3A_2 = arith.constant 0 : index
    %get3A_3 = arith.constant 0 : index
    %get3A_4 = vector.load %arg2[%get3A, %get3A_2, %get3A_3] : memref<1x1x3072xi32, #tpu.memory_space<vmem>>, vector<1x1x3072xi32>
    %get3A_5 = vector.shape_cast %get3A_4 : vector<1x1x3072xi32> to vector<1x3072xi32>
    %eq3A = vector.broadcast %get3A_5 : vector<1x3072xi32> to vector<256x3072xi32>
    %eq3A_6 = vector.broadcast %add3A_1 : vector<256x1xi32> to vector<256x3072xi32>
    %eq3A_7 = arith.cmpi eq, %eq3A, %eq3A_6 : vector<256x3072xi32>
    %get3A_8 = arith.constant 0 : index
    %get3A_9 = arith.constant 0 : index
    %get3A_10 = arith.constant 0 : index
    %get3A_11 = vector.load %arg3[%get3A_8, %get3A_9, %get3A_10] : memref<1x1x3072xf32, #tpu.memory_space<vmem>>, vector<1x1x3072xf32>
    %get3A_12 = vector.shape_cast %get3A_11 : vector<1x1x3072xf32> to vector<1x3072xf32>
    %jit3A = arith.constant 0.000000e+00 : f32
    %broadcast_in_dim3A = vector.shape_cast %get3A_12 : vector<1x3072xf32> to vector<1x3072xf32>
    %broadcast_in_dim3A_13 = vector.broadcast %broadcast_in_dim3A : vector<1x3072xf32> to vector<256x3072xf32>
    %broadcast_in_dim3A_14 = vector.broadcast %jit3A : f32 to vector<256x3072xf32>
    %select_n3A = arith.select %eq3A_7, %broadcast_in_dim3A_13, %broadcast_in_dim3A_14 : vector<256x3072xi1>, vector<256x3072xf32>
    %swap3A = arith.constant 0 : index
    %swap3A_15 = arith.constant 0 : index
    %swap3A_16 = vector.load %arg5[%swap3A, %swap3A_15] : memref<256x3072xf32, #tpu.memory_space<vmem>>, vector<256x3072xf32>
    tpu.vector_store %arg5[%swap3A, %swap3A_15], %select_n3A {strides = array<i32>} : memref<256x3072xf32, #tpu.memory_space<vmem>>, vector<256x3072xf32>,
    %swap3A_17 = arith.constant 0 : index
    %swap3A_18 = arith.constant 0 : index
    %swap3A_19 = vector.load %arg4[%swap3A_17, %swap3A_18] : memref<256x3072xi32, #tpu.memory_space<vmem>>, vector<256x3072xi32>
    %swap3A_20 = arith.extui %eq3A_7 : vector<256x3072xi1> to vector<256x3072xi32>
    %swap3A_21 = arith.constant dense<0> : vector<256x3072xi32>
    %swap3A_22 = arith.cmpi ne, %swap3A_19, %swap3A_21 : vector<256x3072xi32>
    tpu.vector_store %arg4[%swap3A_17, %swap3A_18], %swap3A_20 {strides = array<i32>} : memref<256x3072xi32, #tpu.memory_space<vmem>>, vector<256x3072xi32>,
    return
  }
  func.func @transform_0(%arg0: i32, %arg1: i32) -> (i32, i32, i32) {
    %c0_i32 = arith.constant 0 : i32
    %c0_i32_0 = arith.constant 0 : i32
    %c0_i32_1 = arith.constant 0 : i32
    return %arg0, %c0_i32, %c0_i32_0 : i32, i32, i32
  }
  func.func @transform_1(%arg0: i32, %arg1: i32) -> (i32, i32, i32) {
    %c0_i32 = arith.constant 0 : i32
    %c0_i32_0 = arith.constant 0 : i32
    %c0_i32_1 = arith.constant 0 : i32
    return %arg0, %c0_i32, %c0_i32_0 : i32, i32, i32
  }
  func.func @transform_2(%arg0: i32, %arg1: i32) -> (i32, i32) {
    %mul3A = arith.constant 8 : i32
    %mul3A_0 = arith.muli %arg0, %mul3A : i32
    %add3A = arith.addi %mul3A_0, %arg1 : i32
    %c0_i32 = arith.constant 0 : i32
    %c0_i32_1 = arith.constant 0 : i32
    return %add3A, %c0_i32 : i32, i32
  }
  func.func @transform_3(%arg0: i32, %arg1: i32) -> (i32, i32) {
    %mul3A = arith.constant 8 : i32
    %mul3A_0 = arith.muli %arg0, %mul3A : i32
    %add3A = arith.addi %mul3A_0, %arg1 : i32
    %c0_i32 = arith.constant 0 : i32
    %c0_i32_1 = arith.constant 0 : i32
    return %add3A, %c0_i32 : i32, i32
  }
}

module attributes {stable_mosaic.version = 14 : i64} {
  func.func @_router_topk_kernel(%arg0: memref<2x2048x768xf32, #tpu.memory_space<vmem>>, %arg1: memref<16x768xf32, #tpu.memory_space<vmem>>, %arg2: memref<1x16xf32, #tpu.memory_space<vmem>>, %arg3: memref<32x128xi32, #tpu.memory_space<vmem>>, %arg4: memref<32x192xf32, #tpu.memory_space<vmem>>, %arg5: memref<32x192xi32, #tpu.memory_space<vmem>>, %arg6: memref<1x1xf32, #tpu.memory_space<vmem>>, %arg7: memref<32x2048xf32, #tpu.memory_space<vmem>>) attributes {dimension_semantics = [], scalar_prefetch = 0 : i64, scratch_operands = 1 : i64, tpu.core_type = #tpu.core_type<tc>} {
    %get3A = arith.constant 0 : index
    %get3A_0 = arith.constant 0 : index
    %get3A_1 = vector.load %arg1[%get3A, %get3A_0] : memref<16x768xf32, #tpu.memory_space<vmem>>, vector<16x768xf32>
    %broadcast_in_dim3A = arith.constant 0.000000e+00 : f32
    %broadcast_in_dim3A_2 = vector.broadcast %broadcast_in_dim3A : f32 to vector<1x1xf32>
    %get3A_3 = arith.constant 0 : index
    %get3A_4 = arith.constant 0 : index
    %get3A_5 = arith.constant 0 : index
    %get3A_6 = vector.load %arg0[%get3A_3, %get3A_4, %get3A_5] : memref<2x2048x768xf32, #tpu.memory_space<vmem>>, vector<1x2048x768xf32>
    %get3A_7 = vector.shape_cast %get3A_6 : vector<1x2048x768xf32> to vector<2048x768xf32>
    %dot_general3A = arith.constant dense<0.000000e+00> : vector<2048x16xf32>
    %dot_general3A_8 = tpu.matmul %get3A_7, %get3A_1, %dot_general3A {dimension_numbers = #tpu.dot_dimension_numbers<[1], [1], [0], [0], [0, 0, 1, 0], [], []>, transpose_lhs_hint = false} : vector<2048x768xf32>, vector<16x768xf32>, vector<2048x16xf32> -> vector<2048x16xf32>
    %get3A_9 = arith.constant 0 : index
    %get3A_10 = arith.constant 0 : index
    %get3A_11 = vector.load %arg2[%get3A_9, %get3A_10] : memref<1x16xf32, #tpu.memory_space<vmem>>, vector<1x16xf32>
    %add3A = vector.broadcast %get3A_11 : vector<1x16xf32> to vector<2048x16xf32>
    %add3A_12 = arith.addf %dot_general3A_8, %add3A : vector<2048x16xf32>
    %reduce_max3A = arith.constant dense<0xFF800000> : vector<2048xf32>
    %reduce_max3A_13 = vector.multi_reduction <maximumf>, %add3A_12, %reduce_max3A [1] : vector<2048x16xf32> to vector<2048xf32>
    %broadcast_in_dim3A_14 = vector.shape_cast %reduce_max3A_13 : vector<2048xf32> to vector<2048x1xf32>
    %sub3A = vector.broadcast %broadcast_in_dim3A_14 : vector<2048x1xf32> to vector<2048x16xf32>
    %sub3A_15 = arith.subf %add3A_12, %sub3A : vector<2048x16xf32>
    %exp3A = math.exp %sub3A_15 : vector<2048x16xf32>
    %reduce_sum3A = arith.constant dense<0.000000e+00> : vector<2048xf32>
    %reduce_sum3A_16 = vector.multi_reduction <add>, %exp3A, %reduce_sum3A [1] : vector<2048x16xf32> to vector<2048xf32>
    %broadcast_in_dim3A_17 = vector.shape_cast %reduce_sum3A_16 : vector<2048xf32> to vector<2048x1xf32>
    %div3A = vector.broadcast %broadcast_in_dim3A_17 : vector<2048x1xf32> to vector<2048x16xf32>
    %div3A_18 = arith.divf %exp3A, %div3A : vector<2048x16xf32>
    %transpose3A = tpu.transpose %div3A_18, [1, 0] : vector<2048x16xf32> -> vector<16x2048xf32>
    %swap3A = arith.constant 0 : index
    %swap3A_19 = arith.constant 0 : index
    %swap3A_20 = vector.load %arg7[%swap3A, %swap3A_19] : memref<32x2048xf32, #tpu.memory_space<vmem>>, vector<16x2048xf32>
    tpu.vector_store %arg7[%swap3A, %swap3A_19], %transpose3A {strides = array<i32>} : memref<32x2048xf32, #tpu.memory_space<vmem>>, vector<16x2048xf32>,
    %log3A = math.log %broadcast_in_dim3A_17 : vector<2048x1xf32>
    %add3A_21 = arith.addf %broadcast_in_dim3A_14, %log3A : vector<2048x1xf32>
    %mul3A = arith.mulf %add3A_21, %add3A_21 : vector<2048x1xf32>
    %reduce_sum3A_22 = vector.shape_cast %mul3A : vector<2048x1xf32> to vector<1x2048x1xf32>
    %reduce_sum3A_23 = arith.constant dense<0.000000e+00> : vector<1xf32>
    %reduce_sum3A_24 = vector.multi_reduction <add>, %reduce_sum3A_22, %reduce_sum3A_23 [1, 2] : vector<1x2048x1xf32> to vector<1xf32>
    %reduce_sum3A_25 = vector.shape_cast %reduce_sum3A_24 : vector<1xf32> to vector<1x1x1xf32>
    %reduce_sum3A_26 = vector.extract %reduce_sum3A_25[0, 0, 0] : f32 from vector<1x1x1xf32>
    %reshape3A = vector.broadcast %reduce_sum3A_26 : f32 to vector<1x1xf32>
    %add3A_27 = arith.addf %broadcast_in_dim3A_2, %reshape3A : vector<1x1xf32>
    %get3A_28 = arith.constant 1 : index
    %get3A_29 = arith.constant 0 : index
    %get3A_30 = arith.constant 0 : index
    %get3A_31 = vector.load %arg0[%get3A_28, %get3A_29, %get3A_30] : memref<2x2048x768xf32, #tpu.memory_space<vmem>>, vector<1x2048x768xf32>
    %get3A_32 = vector.shape_cast %get3A_31 : vector<1x2048x768xf32> to vector<2048x768xf32>
    %dot_general3A_33 = arith.constant dense<0.000000e+00> : vector<2048x16xf32>
    %dot_general3A_34 = tpu.matmul %get3A_32, %get3A_1, %dot_general3A_33 {dimension_numbers = #tpu.dot_dimension_numbers<[1], [1], [0], [0], [0, 0, 1, 0], [], []>, transpose_lhs_hint = false} : vector<2048x768xf32>, vector<16x768xf32>, vector<2048x16xf32> -> vector<2048x16xf32>
    %get3A_35 = arith.constant 0 : index
    %get3A_36 = arith.constant 0 : index
    %get3A_37 = vector.load %arg2[%get3A_35, %get3A_36] : memref<1x16xf32, #tpu.memory_space<vmem>>, vector<1x16xf32>
    %add3A_38 = vector.broadcast %get3A_37 : vector<1x16xf32> to vector<2048x16xf32>
    %add3A_39 = arith.addf %dot_general3A_34, %add3A_38 : vector<2048x16xf32>
    %reduce_max3A_40 = arith.constant dense<0xFF800000> : vector<2048xf32>
    %reduce_max3A_41 = vector.multi_reduction <maximumf>, %add3A_39, %reduce_max3A_40 [1] : vector<2048x16xf32> to vector<2048xf32>
    %broadcast_in_dim3A_42 = vector.shape_cast %reduce_max3A_41 : vector<2048xf32> to vector<2048x1xf32>
    %sub3A_43 = vector.broadcast %broadcast_in_dim3A_42 : vector<2048x1xf32> to vector<2048x16xf32>
    %sub3A_44 = arith.subf %add3A_39, %sub3A_43 : vector<2048x16xf32>
    %exp3A_45 = math.exp %sub3A_44 : vector<2048x16xf32>
    %reduce_sum3A_46 = arith.constant dense<0.000000e+00> : vector<2048xf32>
    %reduce_sum3A_47 = vector.multi_reduction <add>, %exp3A_45, %reduce_sum3A_46 [1] : vector<2048x16xf32> to vector<2048xf32>
    %broadcast_in_dim3A_48 = vector.shape_cast %reduce_sum3A_47 : vector<2048xf32> to vector<2048x1xf32>
    %div3A_49 = vector.broadcast %broadcast_in_dim3A_48 : vector<2048x1xf32> to vector<2048x16xf32>
    %div3A_50 = arith.divf %exp3A_45, %div3A_49 : vector<2048x16xf32>
    %transpose3A_51 = tpu.transpose %div3A_50, [1, 0] : vector<2048x16xf32> -> vector<16x2048xf32>
    %swap3A_52 = arith.constant 16 : index
    %swap3A_53 = arith.constant 0 : index
    %swap3A_54 = vector.load %arg7[%swap3A_52, %swap3A_53] : memref<32x2048xf32, #tpu.memory_space<vmem>>, vector<16x2048xf32>
    tpu.vector_store %arg7[%swap3A_52, %swap3A_53], %transpose3A_51 {strides = array<i32>} : memref<32x2048xf32, #tpu.memory_space<vmem>>, vector<16x2048xf32>,
    %log3A_55 = math.log %broadcast_in_dim3A_48 : vector<2048x1xf32>
    %add3A_56 = arith.addf %broadcast_in_dim3A_42, %log3A_55 : vector<2048x1xf32>
    %mul3A_57 = arith.mulf %add3A_56, %add3A_56 : vector<2048x1xf32>
    %reduce_sum3A_58 = vector.shape_cast %mul3A_57 : vector<2048x1xf32> to vector<1x2048x1xf32>
    %reduce_sum3A_59 = arith.constant dense<0.000000e+00> : vector<1xf32>
    %reduce_sum3A_60 = vector.multi_reduction <add>, %reduce_sum3A_58, %reduce_sum3A_59 [1, 2] : vector<1x2048x1xf32> to vector<1xf32>
    %reduce_sum3A_61 = vector.shape_cast %reduce_sum3A_60 : vector<1xf32> to vector<1x1x1xf32>
    %reduce_sum3A_62 = vector.extract %reduce_sum3A_61[0, 0, 0] : f32 from vector<1x1x1xf32>
    %reshape3A_63 = vector.broadcast %reduce_sum3A_62 : f32 to vector<1x1xf32>
    %add3A_64 = arith.addf %add3A_27, %reshape3A_63 : vector<1x1xf32>
    %swap3A_65 = arith.constant 0 : index
    %swap3A_66 = arith.constant 0 : index
    %swap3A_67 = vector.load %arg6[%swap3A_65, %swap3A_66] : memref<1x1xf32, #tpu.memory_space<vmem>>, vector<1x1xf32>
    tpu.vector_store %arg6[%swap3A_65, %swap3A_66], %add3A_64 {strides = array<i32>} : memref<1x1xf32, #tpu.memory_space<vmem>>, vector<1x1xf32>,
    %iota3A = tpu.iota {dimensions = array<i32: 1>} : vector<32x2048xi32>
    %iota3A_68 = tpu.iota {dimensions = array<i32: 1>} : vector<32x192xi32>
    %scan3A = arith.constant 0 : i32
    %scan3A_69 = arith.constant 192 : i32
    %scan3A_70 = arith.addi %scan3A, %scan3A_69 : i32
    %scan3A_71 = arith.constant 1 : i32
    scf.for %scan3A_93 = %scan3A to %scan3A_70 step %scan3A_71  : i32 {
      %get3A_94 = arith.constant 0 : index
      %get3A_95 = arith.constant 0 : index
      %get3A_96 = vector.load %arg7[%get3A_94, %get3A_95] : memref<32x2048xf32, #tpu.memory_space<vmem>>, vector<32x2048xf32>
      %reduce_max3A_97 = arith.constant dense<0xFF800000> : vector<32xf32>
      %reduce_max3A_98 = vector.multi_reduction <maximumf>, %get3A_96, %reduce_max3A_97 [1] : vector<32x2048xf32> to vector<32xf32>
      %broadcast_in_dim3A_99 = vector.shape_cast %reduce_max3A_98 : vector<32xf32> to vector<32x1xf32>
      %eq3A = vector.broadcast %broadcast_in_dim3A_99 : vector<32x1xf32> to vector<32x2048xf32>
      %eq3A_100 = arith.cmpf oeq, %get3A_96, %eq3A : vector<32x2048xf32>
      %jit3A_101 = arith.constant 2048 : i32
      %broadcast_in_dim3A_102 = vector.broadcast %jit3A_101 : i32 to vector<32x2048xi32>
      %select_n3A_103 = arith.select %eq3A_100, %iota3A, %broadcast_in_dim3A_102 : vector<32x2048xi1>, vector<32x2048xi32>
      %reduce_min3A = arith.constant dense<2147483647> : vector<32xi32>
      %reduce_min3A_104 = vector.multi_reduction <minsi>, %select_n3A_103, %reduce_min3A [1] : vector<32x2048xi32> to vector<32xi32>
      %broadcast_in_dim3A_105 = vector.shape_cast %reduce_min3A_104 : vector<32xi32> to vector<32x1xi32>
      %eq3A_106 = vector.broadcast %scan3A_93 : i32 to vector<32x192xi32>
      %eq3A_107 = arith.cmpi eq, %iota3A_68, %eq3A_106 : vector<32x192xi32>
      %get3A_108 = arith.constant 0 : index
      %get3A_109 = arith.constant 0 : index
      %get3A_110 = vector.load %arg4[%get3A_108, %get3A_109] : memref<32x192xf32, #tpu.memory_space<vmem>>, vector<32x192xf32>
      %broadcast_in_dim3A_111 = vector.shape_cast %broadcast_in_dim3A_99 : vector<32x1xf32> to vector<32x1xf32>
      %broadcast_in_dim3A_112 = vector.broadcast %broadcast_in_dim3A_111 : vector<32x1xf32> to vector<32x192xf32>
      %select_n3A_113 = arith.select %eq3A_107, %broadcast_in_dim3A_112, %get3A_110 : vector<32x192xi1>, vector<32x192xf32>
      %swap3A_114 = arith.constant 0 : index
      %swap3A_115 = arith.constant 0 : index
      %swap3A_116 = vector.load %arg4[%swap3A_114, %swap3A_115] : memref<32x192xf32, #tpu.memory_space<vmem>>, vector<32x192xf32>
      tpu.vector_store %arg4[%swap3A_114, %swap3A_115], %select_n3A_113 {strides = array<i32>} : memref<32x192xf32, #tpu.memory_space<vmem>>, vector<32x192xf32>,
      %get3A_117 = arith.constant 0 : index
      %get3A_118 = arith.constant 0 : index
      %get3A_119 = vector.load %arg5[%get3A_117, %get3A_118] : memref<32x192xi32, #tpu.memory_space<vmem>>, vector<32x192xi32>
      %broadcast_in_dim3A_120 = vector.shape_cast %broadcast_in_dim3A_105 : vector<32x1xi32> to vector<32x1xi32>
      %broadcast_in_dim3A_121 = vector.broadcast %broadcast_in_dim3A_120 : vector<32x1xi32> to vector<32x192xi32>
      %select_n3A_122 = arith.select %eq3A_107, %broadcast_in_dim3A_121, %get3A_119 : vector<32x192xi1>, vector<32x192xi32>
      %swap3A_123 = arith.constant 0 : index
      %swap3A_124 = arith.constant 0 : index
      %swap3A_125 = vector.load %arg5[%swap3A_123, %swap3A_124] : memref<32x192xi32, #tpu.memory_space<vmem>>, vector<32x192xi32>
      tpu.vector_store %arg5[%swap3A_123, %swap3A_124], %select_n3A_122 {strides = array<i32>} : memref<32x192xi32, #tpu.memory_space<vmem>>, vector<32x192xi32>,
      %eq3A_126 = vector.broadcast %broadcast_in_dim3A_105 : vector<32x1xi32> to vector<32x2048xi32>
      %eq3A_127 = arith.cmpi eq, %iota3A, %eq3A_126 : vector<32x2048xi32>
      %jit3A_128 = arith.constant 0xFF800000 : f32
      %broadcast_in_dim3A_129 = vector.broadcast %jit3A_128 : f32 to vector<32x2048xf32>
      %select_n3A_130 = arith.select %eq3A_127, %broadcast_in_dim3A_129, %get3A_96 : vector<32x2048xi1>, vector<32x2048xf32>
      %swap3A_131 = arith.constant 0 : index
      %swap3A_132 = arith.constant 0 : index
      %swap3A_133 = vector.load %arg7[%swap3A_131, %swap3A_132] : memref<32x2048xf32, #tpu.memory_space<vmem>>, vector<32x2048xf32>
      tpu.vector_store %arg7[%swap3A_131, %swap3A_132], %select_n3A_130 {strides = array<i32>} : memref<32x2048xf32, #tpu.memory_space<vmem>>, vector<32x2048xf32>,
    }
    %scan3A_72 = arith.constant 192 : i32
    %get3A_73 = arith.constant 0 : index
    %get3A_74 = arith.constant 0 : index
    %get3A_75 = vector.load %arg3[%get3A_73, %get3A_74] : memref<32x128xi32, #tpu.memory_space<vmem>>, vector<32x1xi32>
    %lt3A = vector.broadcast %get3A_75 : vector<32x1xi32> to vector<32x192xi32>
    %lt3A_76 = arith.cmpi slt, %iota3A_68, %lt3A : vector<32x192xi32>
    %get3A_77 = arith.constant 0 : index
    %get3A_78 = arith.constant 0 : index
    %get3A_79 = vector.load %arg4[%get3A_77, %get3A_78] : memref<32x192xf32, #tpu.memory_space<vmem>>, vector<32x192xf32>
    %jit3A = arith.constant 0.000000e+00 : f32
    %broadcast_in_dim3A_80 = vector.broadcast %jit3A : f32 to vector<32x192xf32>
    %select_n3A = arith.select %lt3A_76, %get3A_79, %broadcast_in_dim3A_80 : vector<32x192xi1>, vector<32x192xf32>
    %swap3A_81 = arith.constant 0 : index
    %swap3A_82 = arith.constant 0 : index
    %swap3A_83 = vector.load %arg4[%swap3A_81, %swap3A_82] : memref<32x192xf32, #tpu.memory_space<vmem>>, vector<32x192xf32>
    tpu.vector_store %arg4[%swap3A_81, %swap3A_82], %select_n3A {strides = array<i32>} : memref<32x192xf32, #tpu.memory_space<vmem>>, vector<32x192xf32>,
    %get3A_84 = arith.constant 0 : index
    %get3A_85 = arith.constant 0 : index
    %get3A_86 = vector.load %arg5[%get3A_84, %get3A_85] : memref<32x192xi32, #tpu.memory_space<vmem>>, vector<32x192xi32>
    %jit3A_87 = arith.constant -1 : i32
    %broadcast_in_dim3A_88 = vector.broadcast %jit3A_87 : i32 to vector<32x192xi32>
    %select_n3A_89 = arith.select %lt3A_76, %get3A_86, %broadcast_in_dim3A_88 : vector<32x192xi1>, vector<32x192xi32>
    %swap3A_90 = arith.constant 0 : index
    %swap3A_91 = arith.constant 0 : index
    %swap3A_92 = vector.load %arg5[%swap3A_90, %swap3A_91] : memref<32x192xi32, #tpu.memory_space<vmem>>, vector<32x192xi32>
    tpu.vector_store %arg5[%swap3A_90, %swap3A_91], %select_n3A_89 {strides = array<i32>} : memref<32x192xi32, #tpu.memory_space<vmem>>, vector<32x192xi32>,
    return
  }
}

</mosaic_0001>

<sc_bundles>
// kernel: sparse-core-data-format-call.cloned.1.call-start
scs
called_computation_lowered:
.L_overlay_start_0:
0x0: {  	s2 =	sld [smem:$0x3FD9]  }
0x1: {  	s3 =	sld [smem:$0x3FFE];
	_ =	sdelay $0x1  }
0x2: {  	s1 =	srdreg.scid  }
0x3: {  	s0 =	sand.u32 $0x1, s1  }
0x4: {  	s15 =	sshll.u32 s0, $0xA;
	s2 =	sadd.s32 s3, s2  }
0x5: {  	s2 =	sadd.s32 s2, s15  }
0x6: {  	[smem:$0x3FC4] =	sst s2  }
0x7: {  	_ = 	snop  }
0x8: {  	s2 =	sld [smem:$0x3FD0];
	_ =	sdelay $0x2  }
0x9: {  	s16 =	simm.s32 $0xA;
	s4 =	simm.s32 $0x10  }
0xa: {  	[smem:s4], [sflag:s16] =	dma.local [hbm:s2], $0x1  }
0xb: {  	_ =	swait.eq [sflag:s16], $0x1  }
0xc: {  	[sflag:s16] =	ssyncset.done $0x0  }
0xd: {  	[sflag:s16] =	ssyncadd.s32 $0xFFFFFFFF  }
0xe: {  	s17 =	sld [smem:$0x11];
	(tm) =	ssettm $0x1  }
0xf: {  	s18 =	sld [smem:$0x3FFB];
	_ =	sdelay $0x3  }
0x10: {  	_ =	strace s18  }
0x11: {  	s3 =	sld [smem:$0x3FFC];
	_ =	sdelay $0x3  }
0x12: {  	_ =	strace s3  }
0x13: {  	s3 =	sld [smem:$0x3FFD];
	_ =	sdelay $0x3  }
0x14: {  	_ =	strace s3  }
0x15: {  	_ =	strace $0x8FFFFFFF  }
0x16: {  	s19 =	sld [smem:$0x3FDB];
	_ =	sdelay $0x1  }
0x17: {  	s20 =	simm.s32 $_scs_section_size  }
0x18: {  	s5 =	simm.s32 $_size__tile_overlayer_lowered;
	s6 =	simm.s32 $_tile_overlayer_lowered  }
0x19: {  	s23 =	simm.s32 $0x1BFF;
	s22 =	sshll.u32 s6, $0x1;
	s3 =	sadd.s32 s20, s19  }
0x1a: {  	s7 =	simm.s32 $0x0;
	s21 =	sshll.u32 s5, $0x1;
	s5 =	sadd.s32 s22, s3  }
0x1b: {  	[timem:s7], [sflag:s23] =	dma.local [hbm:s5], s21  }
0x1c: {  	_ =	swait.ge [sflag:s23], s21  }
0x1d: {  	s4 =	ssub.s32 $0x0, s21;
	[sflag:s23] =	ssyncset.done $0x0  }
0x1e: {  	[sflag:s23] =	ssyncadd.s32 s4;
	_ =	sdelay $0x1  }
0x1f: {  	s24 =	simm.s32 $0x1B8B  }
0x20: {  	_ =	swait.ge [sflag:s24], $0x1  }
0x21: {  	[sflag:s24] =	ssyncset.done $0x0  }
0x22: {  	s26 =	simm.s32 $0x1B8E;
	s25 =	sld [smem:$0x3FFE];
	[sflag:s24] =	ssyncadd.s32 $0xFFFFFFFF  }
0x23: {  	s27 =	simm.s32 $execute0_lowered;
	[smem:$0x3FD2] =	sst s26  }
0x24: {  	s5 =	sshll.u32 s27, $0x1;
	_ =	strace $0x80000046;
	[dreg:$0x1] =	wrdreg $0xFFFFFFFF  }
0x25: {  	s28 =	simm.s32 $_size_execute0_lowered;
	s3 =	sadd.s32 s3, s5;
	[dreg:$0x0] =	wrdreg $0x0  }
0x26: {  	s5 =	sshll.u32 s28, $0x1;
	[dreg:$0x2] =	wrdreg s3  }
0x27: {  	[dreg:$0x3] =	wrdreg s5  }
0x28: {  	[dreg:$0x4] =	wrdreg $0xC0  }
0x29: {  	_ =	task [dreg:s7], $0x5FFFF  }
0x2a: {  	[dreg:$0x1] =	wrdreg $0xFFFFFFFF  }
0x2b: {  	[dreg:$0x0] =	wrdreg $0x60  }
0x2c: {  	[dreg:$0x2] =	wrdreg s25  }
0x2d: {  	[dreg:$0x3] =	wrdreg s17  }
0x2e: {  	[dreg:$0x4] =	wrdreg $0x9  }
0x2f: {  	_ =	task.clear_ibuf [dreg:s7], $0x5FFFF;
	_ =	strace $0x90000046  }
0x30: {  	s29 =	simm.s32 $0x9;
	_ =	strace $0x80000048  }
0x31: {  	_ =	swait.ge [sflag:s29], $0x1  }
0x32: {  	[sflag:s29] =	ssyncadd.s32 $0xFFFFFFFF  }
0x33: {  	_ =	strace $0x90000048  }
0x34: {  	_ =	sfence  }
0x35: {  	s30 =	sld [smem:$0x0];
	_ =	sdelay $0x2  }
0x36: {  	s31 =	sshll.u32 s1, $0xD;
	s1 =	sshrl.u32 s1, $0x2  }
0x37: {  	s3 =	sand.u32 $0x4000, s31;
	s1 =	sadd.s32 s1, s30  }
0x38: {  	s0 =	sor.u32 s3, s0;
	s1 =	sshll.u32 s1, $0x11  }
0x39: {  	s0 =	sor.u32 s1, s0  }
0x3a: {  	s0 =	sadd.s32 $0x8F2B, s0  }
0x3b: {  	[sflag:s0] =	ssyncadd.remote.s32 $0x1  }
0x3c: {  	_ =	sfence.sel $0xFFFF  }
0x3d: {  	[dreg:$0x0] =	wrdreg $0xFFFFFFFF;
	(pc) =	sbr.abs _section_cstart, $3  }
0x3e: {  	[dreg:$0x1] =	wrdreg $0xFFFFFFFF  }
0x3f: {  	_ =	task.clear_ibuf [dreg:s7], $0x2FFFF;
	_ =	strace $0x9FFFFFFF  }
0x40: {  	(tm) =	ssettm $0x7FFFFFFF  }
0x41: {  	_ =	shalt  }
tec
execute0_lowered:
.L_overlay_start_1:
0x0: {  	(tag) =	ssettag $0x1  }
0x1: {  	s0 =	stileid.u32;
	s1 =	srdreg.scid  }
0x2: {  	s5 =	rddreg [dreg:$0x0];
	_ =	strace $0x80000047;
	s31 =	simm.s32 $0x2  }
0x3: {  	s19 =	simm.s32 $0x0;
	s9 =	simm.s32 $0x4000;
	s21 =	simm.s32 $0x0  }
0x4: {  	s20 =	simm.s32 $0x0;
	s2 =	sshll.u32 s0, $0x6;
	s1 =	sshll.u32 s1, $0xA  }
0x5: {  	s22 =	simm.s32 $0x0;
	s10 =	simm.s32 $0x0;
	s1 =	sor.u32 s2, s1  }
0x6: {  	s11 =	simm.s32 $0x0;
	s12 =	simm.s32 $0x0;
	s1 =	sand.u32 $0x780, s1  }
0x7: {  	s13 =	simm.s32 $0x0;
	s2 =	sand.u32 $0x1, s0;
	s3 =	ssub.s32 $0x800, s1  }
0x8: {  	s14 =	simm.s32 $0x0;
	s4 =	ssub.s32 $0x2, s2;
	s6 =	sand.u32 $0x780, s3  }
0x9: {  	s7 =	sshrl.u32 s4, $0x1;
	p0 =	sne.s32 s6, $0x0;
	s6 =	simm.s32 $0x1  }
0xa: {  	s8 =	sand.u32 $0x1, s4;
	s3 =	sshrl.u32 s3, $0xB;
	s6 =	simm.s32 @!p0 $0x0  }
.Ltmp0:
0xb: {  	s7 =	sadd.s32 s8, s7;
	s6 =	sadd.s32 s6, s3;
	(pc) =	sbr.rel .LBB1_1-.Ltmp0, $4  }
0xc: {  	s15 =	simm.s32 $0x0;
	s18 =	simm.s32 $0x0;
	s7 =	smul.u32 s6, s7  }
0xd: {  	s5 =	sadd.s32 $0x180E00, s5;
	s17 =	smov.u32 s2;
	s6 =	simm.s32 $0x1  }
0xe: {  	s16 =	smov.u32 s1;
	[sflag:s6] =	ssyncpa.u1 $0x0;
	s7 =	sshll.u32 s7, $0x5  }
0xf: {  	p0 =	por $0x0, $0x0;
	[sflag:s31] =	ssyncpa.u1 $0x0;
	s8 =	sor.u32 $0x1, s7  }
.LBB1_4:
0x10: {  	s27 =	sshra.s32 s27, $0x2  }
0x11: {  	s28 =	sshll.u32 s10, $0xB;
	s3 =	sshra.s32 s13, $0x1F;
	s29 =	sshll.u32 s12, $0x3  }
0x12: {  	p1 =	sgt.s32 s13, $0x1;
	s30 =	smov.u32 s13;
	s4 =	sshra.s32 s12, $0x1F  }
0x13: {  	s26 =	sadd.s32 s27, s26;
	s0 =	sand.u32 $0xFFFFC000, s28;
	s28 =	sand.u32 s3, s13  }
0x14: {  	s31 =	sand.u32 $0xFFFFFC00, s29;
	s30 =	simm.s32 @!p1 $0x1;
	s3 =	sand.u32 $0x78, s12  }
0x15: {  	s29 =	sand.u32 $0x400, s29;
	s28 =	sxor.u32 $0xFFFFFFFF, s28;
	s27 =	sadd.s32 s31, s0  }
0x16: {  	s3 =	sor.u32 s3, s29;
	s29 =	smov.u32 s12;
	s28 =	sadd.s32 s28, s30  }
0x17: {  	s31 =	smov.u32 s11;
	p1 =	sgt.s32 s28, $0x0;
	s28 =	ssub.s32 $0x1, s28  }
0x18: {  	s0 =	sshra.s32 s11, $0x1F;
	s28 =	simm.s32 @p1 $0x0;
	p1 =	sgt.s32 s12, $0x780  }
0x19: {  	s27 =	sshrl.u32 s27, $0xB;
	s29 =	simm.s32 @!p1 $0x780;
	p1 =	sgt.s32 s11, $0xF  }
0x1a: {  	s30 =	sand.u32 s4, s12;
	s0 =	sand.u32 s0, s11;
	s31 =	simm.s32 @!p1 $0xF  }
0x1b: {  	s29 =	ssub.s32 s29, s30;
	p1 =	sgt.s32 s10, $0x40;
	s30 =	smov.u32 s10  }
0x1c: {  	s0 =	ssub.s32 s31, s0;
	s4 =	sadd.s32 $0xFFFFF880, s29;
	s30 =	simm.s32 @!p1 $0x40  }
0x1d: {  	v5 =	vld [tilespmem:s24+$0xFFFFFFD0];
	[tilespmem:s25+$0x2040 ss:$0x81] =	vst.msk $0xffff, v4;
	s29 =	ssub.s32 $0x800, s29;
	p1 =	sgt.s32 s4, $0x7F;
	s31 =	sadd.s32 $0xFFFFFFF1, s0  }
0x1e: {  	v58 =	vld [tilespmem:s24+$0xFFFFFFE0];
	[tilespmem:s25+$0x2850 ss:$0x81] =	vst.msk $0xffff, v3;
	s4 =	sshra.s32 s10, $0x1F;
	s0 =	ssub.s32 $0x10, s0;
	s29 =	simm.s32 @p1 $0x0  }
0x1f: {  	v59 =	vld [tilespmem:s24+$0xFFFFFFF0];
	[tilespmem:s25+$0x3060 ss:$0x81] =	vst.msk $0xffff, v2;
	p1 =	sgt.s32 s31, $0x0;
	s31 =	smulhi.u32 $0x1555556, s27;
	s4 =	sand.u32 s4, s10  }
0x20: {  	[tilespmem:s25+$0x0 ss:$0x81] =	vst.msk $0xffff, v1;
	v60 =	vld [tilespmem:s24+$0x0];
	s4 =	ssub.s32 s30, s4;
	s25 =	smul.u32 s28, s29;
	s30 =	sshll.u32 s10, $0x7  }
0x21: {  	v61 =	vld [tilespmem:s24+$0x10];
	[tilespmem:s26+$0x3870 ss:$0x81] =	vst.msk $0xffff, v0;
	s0 =	simm.s32 @p1 $0x0;
	s29 =	smul.u32 $0xC0, s31;
	s28 =	sand.u32 $0x380, s30  }
0x22: {  	v62 =	vld [tilespmem:s24+$0x20];
	[tilespmem:s26+$0x810 ss:$0x81] =	vst.msk $0xffff, v5;
	s31 =	sadd.s32 $0xFFFFFFC0, s4;
	s4 =	ssub.s32 $0xC0, s4;
	s30 =	smul.u32 $0xC0000, s13  }
0x23: {  	v63 =	vld [tilespmem:s24+$0xFFFFFFC0];
	[tilespmem:s26+$0x1020 ss:$0x81] =	vst.msk $0xffff, v58;
	s0 =	smul.u32 s0, s25;
	p1 =	sgt.s32 s31, $0x7F;
	s3 =	sor.u32 s28, s3  }
0x24: {  	[tilespmem:s26+$0x1830 ss:$0x81] =	vst.msk $0xffff, v59;
	s31 =	smul.u32 $0xC000, s11;
	s28 =	rddreg [dreg:$0x1];
	s4 =	simm.s32 @p1 $0x0  }
0x25: {  	[tilespmem:s26+$0x2040 ss:$0x81] =	vst.msk $0xffff, v60;
	s27 =	ssub.s32 s27, s29;
	s0 =	smul.u32 s4, s0;
	s4 =	sadd.s32 s28, s30  }
0x26: {  	[tilespmem:s26+$0x2850 ss:$0x81] =	vst.msk $0xffff, v61;
	s3 =	sshrl.u32 s3, $0x3;
	s29 =	sand.u32 $0x7, s12;
	s4 =	sadd.s32 s31, s4  }
0x27: {  	[tilespmem:s26+$0x3060 ss:$0x81] =	vst.msk $0xffff, v62;
	s30 =	sshll.u32 s27, $0x8;
	s31 =	sshll.u32 s29, $0x12;
	s3 =	sadd.s32 s3, s4  }
0x28: {  	[tilespmem:s26+$0x0 ss:$0x81] =	vst.msk $0xffff, v63;
	s0 =	sand.u32 $0x3FFFFFFF, s0;
	s4 =	sor.u32 $0x400, s31;
	s3 =	sadd.s32 s30, s3  }
0x29: {  	[hbm4b:s3+s4] =	stream.strided.scatter [tilespmem:s23], [sflag:$0x2], s0, s9, s4, $0x20;
	[tilespmem:$0x10100] =	vst v63  }
.LBB1_5:
0x2a: {  	p1 =	slt.u32 s18, $0x2;
	s0 =	smov.u32 s22  }
0x2b: {  	s4 =	smov.u32 s21;
	s23 =	sadd.s32 $0x80, s14;
	s24 =	smov.u32 s16  }
0x2c: {  	s25 =	smov.u32 s17;
	p0 =	por !p0, !p0;
	p2 =	sgt.s32 @!p1 s22, $0x1  }
0x2d: {  	s3 =	sshra.s32 @!p1 s22, $0x1F;
	p3 =	sgt.s32 @!p1 s20, $0x780;
	p2 =	por !p2, p1  }
0x2e: {  	s3 =	sand.u32 @!p1 s3, s22;
	s22 =	sshra.s32 @!p1 s21, $0x1F;
	p3 =	por !p3, p1  }
0x2f: {  	s0 =	simm.s32 @p2 $0x1;
	p2 =	sgt.s32 @!p1 s21, $0xF;
	s3 =	sxor.u32 @!p1 $0xFFFFFFFF, s3  }
0x30: {  	p2 =	por !p2, p1;
	s0 =	sadd.s32 @!p1 s3, s0;
	s3 =	sand.u32 @!p1 s22, s21  }
0x31: {  	s21 =	sshra.s32 @!p1 s20, $0x1F;
	s4 =	simm.s32 @p2 $0xF;
	p2 =	sgt.s32 @!p1 s0, $0x0  }
0x32: {  	s0 =	ssub.s32 @!p1 $0x1, s0;
	s3 =	ssub.s32 @!p1 s4, s3;
	p2 =	por !p2, p1  }
0x33: {  	s4 =	sadd.s32 @!p1 $0xFFFFFFF1, s3;
	s0 =	simm.s32 @!p2 $0x0;
	s3 =	ssub.s32 @!p1 $0x10, s3  }
0x34: {  	p2 =	sgt.s32 @!p1 s4, $0x0;
	s4 =	smov.u32 s20;
	s20 =	sand.u32 @!p1 s21, s20  }
0x35: {  	s21 =	sshra.s32 @!p1 s19, $0x1F;
	s4 =	simm.s32 @p3 $0x780;
	p3 =	sgt.s32 @!p1 s19, $0x40  }
0x36: {  	p2 =	por !p2, p1;
	s4 =	ssub.s32 @!p1 s4, s20;
	p3 =	por !p3, p1  }
0x37: {  	s20 =	smov.u32 s19;
	s19 =	sand.u32 @!p1 s21, s19;
	s21 =	sadd.s32 @!p1 $0xFFFFF880, s4  }
0x38: {  	s3 =	simm.s32 @!p2 $0x0;
	s20 =	simm.s32 @p3 $0x40;
	p2 =	sgt.s32 @!p1 s21, $0x7F  }
0x39: {  	s4 =	ssub.s32 @!p1 $0x800, s4;
	s19 =	ssub.s32 @!p1 s20, s19;
	p2 =	por !p2, p1  }
0x3a: {  	s22 =	smov.u32 s13;
	s20 =	sadd.s32 @!p1 $0xFFFFFFC0, s19;
	s4 =	simm.s32 @!p2 $0x0  }
0x3b: {  	p2 =	sgt.s32 s23, $0xBF;
	s0 =	smul.u32 @!p1 s0, s4;
	s4 =	simm.s32 $0x1  }
0x3c: {  	s19 =	ssub.s32 @!p1 $0xC0, s19;
	p3 =	sgt.s32 @!p1 s20, $0x7F;
	s4 =	simm.s32 @!p2 $0x0  }
0x3d: {  	p3 =	por !p3, p1;
	s0 =	smul.u32 @!p1 s3, s0;
	s3 =	sadd.s32 s4, s15  }
0x3e: {  	s19 =	simm.s32 @!p3 $0x0;
	s4 =	sadd.s32 $0x800, s16;
	p3 =	sgt.s32 s3, $0xF  }
0x3f: {  	s13 =	smov.u32 s17;
	s21 =	smov.u32 s11;
	s24 =	smov.u32 @p3 s4  }
0x40: {  	s23 =	simm.s32 @p2 $0x0;
	s4 =	sadd.s32 $0x2, s17;
	p2 =	sgt.s32 s24, $0x7FF  }
0x41: {  	s11 =	smov.u32 s15;
	s20 =	smov.u32 s12;
	s25 =	smov.u32 @p2 s4  }
0x42: {  	s12 =	smov.u32 s16;
	s24 =	smov.u32 @p2 s1;
	p2 =	sgt.s32 s25, $0x1  }
0x43: {  	s0 =	smul.u32 @!p1 s19, s0;
	s25 =	smov.u32 @p2 s2;
	p2 =	sne.s32 s18, s8  }
.Ltmp1:
0x44: {  	s3 =	simm.s32 @p3 $0x0;
	s19 =	smov.u32 s10;
	(pc) =	sbr.rel @!p2 .LBB1_6-.Ltmp1, $4  }
0x45: {  	s10 =	smov.u32 s14;
	s0 =	sand.u32 @!p1 $0x3FFFFFFF, s0;
	s4 =	simm.s32 @!p1 $0x2  }
0x46: {  	s14 =	smov.u32 s23;
	s15 =	smov.u32 s3;
	_ =	swait.ge @!p1 [sflag:s4], s0  }
0x47: {  	s0 =	ssub.s32 @!p1 $0x0, s0;
	s16 =	smov.u32 s24;
	[sflag:s4] =	ssyncset.done @!p1 $0x0  }
0x48: {  	s18 =	sadd.s32 $0x1, s18;
	[sflag:s4] =	ssyncadd.s32 @!p1 s0;
	s17 =	smov.u32 s25  }
.LBB1_1:
0x49: {  	p1 =	sge.u32 s18, s7;
	s31 =	sadd.s32 $0xFFFFFFFF, s18  }
0x4a: {  	s23 =	sxor.u32 @!p1 $0xFFFFFFFF, s18;
	s24 =	sand.u32 @!p1 $0x78, s14;
	s25 =	sshll.u32 @!p1 s15, $0x8  }
0x4b: {  	s26 =	sshll.u32 @!p1 s14, $0x3;
	s27 =	sshll.u32 @!p1 s15, $0x7;
	s23 =	sshll.u32 @!p1 s23, $0xE  }
0x4c: {  	s25 =	sand.u32 @!p1 $0x800, s25;
	s26 =	sand.u32 @!p1 $0xC00, s26;
	s23 =	sand.u32 @!p1 $0x4000, s23  }
0x4d: {  	s25 =	sadd.s32 @!p1 s25, s26;
	s26 =	sand.u32 @!p1 $0x300, s27;
	s27 =	sand.u32 @!p1 $0x80, s27  }
0x4e: {  	s25 =	sor.u32 @!p1 s26, s25;
	s24 =	sor.u32 @!p1 s24, s27;
	s26 =	sshll.u32 @!p1 s17, $0x14  }
0x4f: {  	s27 =	sshll.u32 @!p1 s16, $0x9;
	s25 =	sshrl.u32 @!p1 s25, $0x3;
	s26 =	sadd.s32 @!p1 s5, s26  }
0x50: {  	s24 =	sshrl.u32 @!p1 s24, $0x3;
	s26 =	sadd.s32 @!p1 s27, s26;
	s27 =	sand.u32 @!p1 $0x7, s14  }
0x51: {  	s25 =	sand.u32 @!p1 $0x1E0, s25;
	s24 =	sadd.s32 @!p1 s24, s26;
	s26 =	sshll.u32 @!p1 s27, $0x12  }
0x52: {  	s24 =	sadd.s32 @!p1 s25, s24;
	s25 =	sor.u32 @!p1 $0x80, s26;
	s26 =	simm.s32 @!p1 $0x1000  }
0x53: {  	[tilespmem:s23], [sflag:$0x1] =	stream.strided.gather @!p1 [hbm4b:s24+s25], $0x4000, s26, s25, $0x38;
	[tilespmem:$0x10100] =	vst v63  }
0x54: {  	p1 =	sge.u32 s31, s7  }
.Ltmp2:
0x55: {  	_ = 	snop;
	(pc) =	sbr.rel @p1 .LBB1_5-.Ltmp2, $1  }
0x56: {  	_ =	sdelay $0x3  }
0x57: {  	s23 =	simm.s32 $0x1  }
0x58: {  	_ =	swait.ge [sflag:s6], $0x4000;
	s23 =	simm.s32 @!p0 $0x0  }
0x59: {  	[sflag:s6] =	ssyncset.done $0x0;
	s24 =	sshll.u32 s23, $0xE  }
0x5a: {  	[sflag:s6] =	ssyncadd.s32 $0xFFFFC000;
	s24 =	sor.u32 $0x40, s24  }
0x5b: {  	s23 =	smul.u32 $0x10200, s23;
	v0 =	vld [tilespmem:s24+$0x30]  }
0x5c: {  	v1 =	vld [tilespmem:s24+$0xFFFFFFD0]  }
0x5d: {  	s23 =	sshrl.u32 s23, $0x2;
	v5 =	vld [tilespmem:s24+$0xFFFFFFE0]  }
0x5e: {  	v6 =	vld [tilespmem:s24+$0xFFFFFFF0];
	s26 =	sor.u32 $0x8000, s23  }
0x5f: {  	s31 =	sand.u32 $0x1, s18;
	v4 =	vld [tilespmem:s24+$0x0];
	s25 =	sadd.s32 $0x0, s26  }
0x60: {  	v3 =	vld [tilespmem:s24+$0x10];
	s23 =	smul.u32 $0x10200, s31;
	[tilespmem:s25+$0x3870 ss:$0x81] =	vst.msk $0xffff, v0  }
0x61: {  	v2 =	vld [tilespmem:s24+$0x20];
	[tilespmem:s25+$0x810 ss:$0x81] =	vst.msk $0xffff, v1  }
0x62: {  	s23 =	sshrl.u32 s23, $0x2;
	v1 =	vld [tilespmem:s24+$0xFFFFFFC0];
	[tilespmem:s25+$0x1020 ss:$0x81] =	vst.msk $0xffff, v5;
	s24 =	sadd.s32 $0x80, s24  }
0x63: {  	s27 =	simm.s32 $0x4;
	s28 =	simm.s32 $0x8;
	s23 =	sor.u32 $0x8000, s23;
	[tilespmem:s25+$0x1830 ss:$0x81] =	vst.msk $0xffff, v6;
	v0 =	vld [tilespmem:s24+$0x30]  }
.LBB1_3:
0x64: {  	p1 =	sne.s32 s28, $0x1FC;
	v5 =	vld [tilespmem:s24+$0xFFFFFFD0];
	[tilespmem:s25+$0x2040 ss:$0x81] =	vst.msk $0xffff, v4  }
0x65: {  	v6 =	vld [tilespmem:s24+$0xFFFFFFE0];
	[tilespmem:s25+$0x2850 ss:$0x81] =	vst.msk $0xffff, v3  }
0x66: {  	s29 =	sshra.s32 s27, $0x2;
	s27 =	smov.u32 s28;
	v7 =	vld [tilespmem:s24+$0xFFFFFFF0];
	[tilespmem:s25+$0x3060 ss:$0x81] =	vst.msk $0xffff, v2  }
.Ltmp3:
0x67: {  	v4 =	vld [tilespmem:s24+$0x0];
	[tilespmem:s25+$0x0 ss:$0x81] =	vst.msk $0xffff, v1;
	s25 =	sadd.s32 s29, s26;
	(pc) =	sbr.rel @p1 .LBB1_3-.Ltmp3, $4  }
0x68: {  	v3 =	vld [tilespmem:s24+$0x10];
	[tilespmem:s25+$0x3870 ss:$0x81] =	vst.msk $0xffff, v0  }
0x69: {  	[tilespmem:s25+$0x810 ss:$0x81] =	vst.msk $0xffff, v5;
	v2 =	vld [tilespmem:s24+$0x20]  }
0x6a: {  	v1 =	vld [tilespmem:s24+$0xFFFFFFC0];
	[tilespmem:s25+$0x1020 ss:$0x81] =	vst.msk $0xffff, v6;
	s24 =	sadd.s32 $0x80, s24  }
0x6b: {  	s28 =	sadd.s32 $0x4, s28;
	v0 =	vld [tilespmem:s24+$0x30];
	[tilespmem:s25+$0x1830 ss:$0x81] =	vst.msk $0xffff, v7  }
.Ltmp4:
0x6c: {  	_ = 	snop;
	(pc) =	sbr.rel .LBB1_4-.Ltmp4, $1  }
0x6d: {  	_ =	sdelay $0x3  }
.LBB1_6:
0x6e: {  	_ =	sfence.sel $0x180000  }
0x6f: {  	s0 =	simm.s32 $0x1;
	[bflag:$0x0] =	sbarrier.arrive $0xFFFF  }
0x70: {  	s30 =	simm.s32 $0x2;
	[sflag:s0] =	ssyncpa.u1 $0x1  }
0x71: {  	[sflag:s30] =	ssyncpa.u1 $0x1  }
0x72: {  	_ =	strace $0x90000047  }
0x73: {  	s31 =	stileid.u32;
	[bflag:$0x2] =	sbarrier.arrive $0xFFFF  }
0x74: {  	p0 =	sne.s32 s31, $0x0;
	s0 =	rddreg [dreg:$0x2]  }
0x75: {  	s0 =	sadd.s32 @!p0 $0x100000, s0  }
0x76: {  	[sflag:s0] =	ssyncadd.tile.s32 @!p0 $0x1;
	_ =	shalt  }
.Lfunc_end1:
_tile_overlayer_lowered:
.L_overlay_start_2:
0x77: {  	(tag) =	ssettag $0x2  }
0x78: {  	s0 =	rddreg [dreg:$0x0];
	s2 =	stileid.u32  }
0x79: {  	s1 =	rddreg [dreg:$0x1];
	p0 =	sne.s32 s2, $0x0  }
0x7a: {  	s3 =	rddreg [dreg:$0x2];
	[bflag:$0x3] =	sbarrier.arrive $0xFFFF;
	s2 =	simm.s32 @!p0 $0x1C01  }
0x7b: {  	[timem:s3], [sflag:s2] =	dma.local @!p0 [hbm:s0], s1  }
0x7c: {  	s0 =	simm.s32 @!p0 $0x1  }
0x7d: {  	_ =	swait.ge @!p0 [sflag:s0], s1  }
0x7e: {  	s1 =	ssub.s32 @!p0 $0x0, s1;
	[sflag:s0] =	ssyncset.done @!p0 $0x0  }
0x7f: {  	[sflag:s0] =	ssyncadd.s32 @!p0 s1  }
0x80: {  	[bflag:$0x3] =	sbarrier.arrive $0xFFFF  }
0x81: {  	_ =	shalt  }

</sc_bundles>
